<compile_context>
chip_gen: v7x
topology: tpu7x:2x2x1
jax: 0.10.2.dev20260603
libtpu: 0.0.44.dev20260713+nightly
codegen_flags: <defaults>
</compile_context>

<pallas_src>
import functools

import jax
import jax.numpy as jnp
from jax import lax
from jax.experimental import pallas as pl
from jax.experimental.pallas import tpu as pltpu
from jax.experimental.pallas import tpu_sc as plsc

_B, _T = 16, 16000
_N_IN, _N_OUT = 256, 512
_NTOT = _B * _T
_CH = 160
_TTT = 3200
_NT = _T // _TTT


def _make_sc_gather():
    info = plsc.get_sparse_core_info()
    nc, ns = info.num_cores, info.num_subcores
    nw = nc * ns
    n_per_w = _NTOT // nw
    n_iter = n_per_w // _CH
    mesh = plsc.VectorSubcoreMesh(core_axis_name="c", subcore_axis_name="s")

    @functools.partial(
        pl.kernel, mesh=mesh,
        out_type=jax.ShapeDtypeStruct((_NTOT, _N_OUT), jnp.float32),
        scratch_types=[
            pltpu.VMEM((_CH,), jnp.int32),
            pltpu.VMEM((_CH, _N_OUT), jnp.float32),
            pltpu.SemaphoreType.DMA,
        ],
    )
    def sc_gather(table_hbm, idx_hbm, out_hbm, idx_v, rows_v, sem):
        wid = lax.axis_index("s") * nc + lax.axis_index("c")
        base = wid * n_per_w

        @pl.loop(0, n_iter)
        def _(j):
            off = base + j * _CH
            pltpu.sync_copy(idx_hbm.at[pl.ds(off, _CH)], idx_v)
            pltpu.async_copy(table_hbm.at[idx_v], rows_v, sem).wait()
            pltpu.sync_copy(rows_v, out_hbm.at[pl.ds(off, _CH)])

    return sc_gather


def _xpose_kernel(in_ref, out_ref):
    v = in_ref[0, 0]
    v = v / (1.0 + jnp.abs(v))
    out_ref[0] = jnp.transpose(v, (1, 0))


def _transpose_softsign(y_flat):
    y4 = y_flat.reshape(_B, _NT, _TTT, _N_OUT)
    return pl.pallas_call(
        _xpose_kernel,
        grid=(_B, _NT),
        in_specs=[pl.BlockSpec((1, 1, _TTT, _N_OUT), lambda b, t: (b, t, 0, 0))],
        out_specs=pl.BlockSpec((1, _N_OUT, _TTT), lambda b, t: (b, 0, t)),
        out_shape=jax.ShapeDtypeStruct((_B, _N_OUT, _T), jnp.float32),
    )(y4)


def kernel(x, table):
    x_flat = x.astype(jnp.int32).reshape(_NTOT)
    y_flat = _make_sc_gather()(table, x_flat)
    return _transpose_softsign(y_flat)

# --- scband reference (transcript-rebuilt; emitter-appended) ---
"""Pipeline reference for scband-quantized-input-layer-39513699123420 (READ-ONLY COPY).

The authoritative reference and input builder live on the scoring server;
editing this copy changes nothing except your own understanding.
"""

import jax, jax.numpy as jnp
import numpy as np

B, T = 16, 16000
N_IN, N_OUT = 256, 512

def setup_inputs(seed: int = 0) -> dict:
    key = jax.random.key(seed)
    k1, k2 = jax.random.split(key)
    x = jax.random.randint(k1, (B, T), 0, N_IN, dtype=jnp.int64 if jax.config.jax_enable_x64 else jnp.int32)
    table = jax.random.normal(k2, (N_IN, N_OUT), dtype=jnp.float32)
    return {"x": x, "table": table}

def reference(x, table):
    # nn.Embedding lookup: [B, T] -> [B, T, C]
    y = jnp.take(table, x, axis=0)
    # transpose_(1, 2): [B, T, C] -> [B, C, T]
    y = jnp.transpose(y, (0, 2, 1))
    # Softsign: x / (1 + |x|)  (use_act=True)
    y = y / (1.0 + jnp.abs(y))
    return y

if __name__ == "__main__":
    import jax
    _d = setup_inputs()
    print(jax.jit(kernel)(*tuple(_d.values())))

</pallas_src>

<mosaic_0001>
#map = affine_map<(d0, d1) -> (0, 0)>
#map1 = affine_map<(d0, d1) -> (0)>
module attributes {stable_mosaic.version = 14 : i64} {
  func.func @sc_gather(%arg0: i32, %arg1: i32, %arg2: memref<256x512xf32, #tpu.memory_space<hbm>>, %arg3: memref<256000xi32, #tpu.memory_space<hbm>>, %arg4: memref<256000x512xf32, #tpu.memory_space<hbm>>, %arg5: memref<160xi32, #tpu.memory_space<vmem>>, %arg6: memref<160x512xf32, #tpu.memory_space<vmem>>, %arg7: memref<!tpu.dma_semaphore, #tpu.memory_space<semaphore_mem>>) attributes {dimension_semantics = [#tpu.dimension_semantics<core_parallel>, #tpu.dimension_semantics<subcore_parallel>], iteration_bounds = array<i64: 2, 16>, scalar_prefetch = 0 : i64, scratch_operands = 3 : i64, tpu.core_type = #tpu.core_type<sc_vector_subcore>, window_params = [{transform_indices = #map}, {transform_indices = #map1}, {transform_indices = #map}]} {
    %mul3A = arith.constant 2 : i32
    %mul3A_0 = arith.muli %arg1, %mul3A : i32
    %add3A = arith.addi %mul3A_0, %arg0 : i32
    %mul3A_1 = arith.constant 8000 : i32
    %mul3A_2 = arith.muli %add3A, %mul3A_1 : i32
    %scan3A = arith.constant 0 : i32
    %scan3A_3 = arith.constant 50 : i32
    %scan3A_4 = arith.addi %scan3A, %scan3A_3 : i32
    %scan3A_5 = arith.constant 1 : i32
    scf.for %scan3A_7 = %scan3A to %scan3A_4 step %scan3A_5  : i32 {
      %mul3A_8 = arith.constant 1 : i32
      %mul3A_9 = arith.muli %scan3A_7, %mul3A_8 : i32
      %add3A_10 = arith.constant 0 : i32
      %add3A_11 = arith.addi %add3A_10, %mul3A_9 : i32
      %mul3A_12 = arith.constant 160 : i32
      %mul3A_13 = arith.muli %add3A_11, %mul3A_12 : i32
      %add3A_14 = arith.addi %mul3A_2, %mul3A_13 : i32
      "tpu.region"() ({
        %run_scoped3A = tpu.sem_alloc : memref<!tpu.dma_semaphore, #tpu.memory_space<semaphore_mem>>
        %dma_start3A_19 = tpu.memref_slice %arg3[%add3A_14] : memref<256000xi32, #tpu.memory_space<hbm>> -> memref<160xi32, #tpu.memory_space<hbm>>
        %dma_start3A_20 = tpu.memref_slice %arg3[%add3A_14] : memref<256000xi32, #tpu.memory_space<hbm>> -> memref<160xi32, #tpu.memory_space<hbm>>
        tpu.enqueue_dma source(%dma_start3A_20 : memref<160xi32, #tpu.memory_space<hbm>>) target(%arg5 : memref<160xi32, #tpu.memory_space<vmem>>) target_semaphore(%run_scoped3A : memref<!tpu.dma_semaphore, #tpu.memory_space<semaphore_mem>>)
        %dma_wait3A_21 = tpu.memref_slice %arg3[%add3A_14] : memref<256000xi32, #tpu.memory_space<hbm>> -> memref<160xi32, #tpu.memory_space<hbm>>
        %dma_wait3A_22 = tpu.memref_slice %arg3[%add3A_14] : memref<256000xi32, #tpu.memory_space<hbm>> -> memref<160xi32, #tpu.memory_space<hbm>>
        tpu.wait_dma2 semaphore(%run_scoped3A : memref<!tpu.dma_semaphore, #tpu.memory_space<semaphore_mem>>) src(%dma_wait3A_22 : memref<160xi32, #tpu.memory_space<hbm>>) dst(%arg5 : memref<160xi32, #tpu.memory_space<vmem>>)
        tpu.yield
      }) : () -> ()
      %dma_start3A = arith.constant 0 : i32
      %dma_start3A_15 = arith.constant 0 : i32
      %dma_start3A_16 = tpu.memref_slice %arg2[%dma_start3A, %dma_start3A_15] : memref<256x512xf32, #tpu.memory_space<hbm>> -> memref<256x512xf32, #tpu.memory_space<hbm>>
      tpu.enqueue_indirect_dma source(%dma_start3A_16 : memref<256x512xf32, #tpu.memory_space<hbm>>) target(%arg6 : memref<160x512xf32, #tpu.memory_space<vmem>>) offsets(%arg5 : memref<160xi32, #tpu.memory_space<vmem>>) semaphore(%arg7 : memref<!tpu.dma_semaphore, #tpu.memory_space<semaphore_mem>>)
      %dma_wait3A = arith.constant 0 : i32
      %dma_wait3A_17 = arith.constant 0 : i32
      %dma_wait3A_18 = tpu.memref_slice %arg2[%dma_wait3A, %dma_wait3A_17] : memref<256x512xf32, #tpu.memory_space<hbm>> -> memref<256x512xf32, #tpu.memory_space<hbm>>
      tpu.wait_indirect_dma semaphore(%arg7 : memref<!tpu.dma_semaphore, #tpu.memory_space<semaphore_mem>>) src(%dma_wait3A_18 : memref<256x512xf32, #tpu.memory_space<hbm>>) dst(%arg6 : memref<160x512xf32, #tpu.memory_space<vmem>>)
      "tpu.region"() ({
        %run_scoped3A = tpu.sem_alloc : memref<!tpu.dma_semaphore, #tpu.memory_space<semaphore_mem>>
        %dma_start3A_19 = arith.constant 0 : i32
        %dma_start3A_20 = tpu.memref_slice %arg4[%add3A_14, %dma_start3A_19] : memref<256000x512xf32, #tpu.memory_space<hbm>> -> memref<160x512xf32, #tpu.memory_space<hbm>>
        %dma_start3A_21 = arith.constant 0 : i32
        %dma_start3A_22 = tpu.memref_slice %arg4[%add3A_14, %dma_start3A_21] : memref<256000x512xf32, #tpu.memory_space<hbm>> -> memref<160x512xf32, #tpu.memory_space<hbm>>
        tpu.enqueue_dma source(%arg6 : memref<160x512xf32, #tpu.memory_space<vmem>>) target(%dma_start3A_22 : memref<160x512xf32, #tpu.memory_space<hbm>>) target_semaphore(%run_scoped3A : memref<!tpu.dma_semaphore, #tpu.memory_space<semaphore_mem>>)
        %dma_wait3A_23 = arith.constant 0 : i32
        %dma_wait3A_24 = tpu.memref_slice %arg4[%add3A_14, %dma_wait3A_23] : memref<256000x512xf32, #tpu.memory_space<hbm>> -> memref<160x512xf32, #tpu.memory_space<hbm>>
        %dma_wait3A_25 = arith.constant 0 : i32
        %dma_wait3A_26 = tpu.memref_slice %arg4[%add3A_14, %dma_wait3A_25] : memref<256000x512xf32, #tpu.memory_space<hbm>> -> memref<160x512xf32, #tpu.memory_space<hbm>>
        tpu.wait_dma2 semaphore(%run_scoped3A : memref<!tpu.dma_semaphore, #tpu.memory_space<semaphore_mem>>) src(%arg6 : memref<160x512xf32, #tpu.memory_space<vmem>>) dst(%dma_wait3A_26 : memref<160x512xf32, #tpu.memory_space<hbm>>)
        tpu.yield
      }) : () -> ()
    }
    %scan3A_6 = arith.constant 50 : i32
    return
  }
}

module attributes {stable_mosaic.version = 14 : i64} {
  func.func @_xpose_kernel(%arg0: i32, %arg1: i32, %arg2: memref<1x1x3200x512xf32, #tpu.memory_space<vmem>>, %arg3: memref<1x512x3200xf32, #tpu.memory_space<vmem>>) attributes {dimension_semantics = [#tpu.dimension_semantics<arbitrary>, #tpu.dimension_semantics<arbitrary>], iteration_bounds = array<i64: 16, 5>, scalar_prefetch = 0 : i64, scratch_operands = 0 : i64, tpu.core_type = #tpu.core_type<tc>, window_params = [{transform_indices = @transform_0, window_bounds = array<i64: 1, 1, 3200, 512>}, {transform_indices = @transform_1, window_bounds = array<i64: 1, 512, 3200>}]} {
    %get3A = arith.constant 0 : index
    %get3A_0 = arith.constant 0 : index
    %get3A_1 = arith.constant 0 : index
    %get3A_2 = arith.constant 0 : index
    %get3A_3 = vector.load %arg2[%get3A, %get3A_0, %get3A_1, %get3A_2] : memref<1x1x3200x512xf32, #tpu.memory_space<vmem>>, vector<1x1x3200x512xf32>
    %get3A_4 = vector.shape_cast %get3A_3 : vector<1x1x3200x512xf32> to vector<3200x512xf32>
    %abs3A = math.absf %get3A_4 : vector<3200x512xf32>
    %add3A = arith.constant 1.000000e+00 : f32
    %add3A_5 = vector.broadcast %add3A : f32 to vector<3200x512xf32>
    %add3A_6 = arith.addf %add3A_5, %abs3A : vector<3200x512xf32>
    %div3A = arith.divf %get3A_4, %add3A_6 : vector<3200x512xf32>
    %transpose3A = tpu.transpose %div3A, [1, 0] : vector<3200x512xf32> -> vector<512x3200xf32>
    %swap3A = arith.constant 0 : index
    %swap3A_7 = arith.constant 0 : index
    %swap3A_8 = arith.constant 0 : index
    %swap3A_9 = vector.load %arg3[%swap3A, %swap3A_7, %swap3A_8] : memref<1x512x3200xf32, #tpu.memory_space<vmem>>, vector<1x512x3200xf32>
    %swap3A_10 = vector.shape_cast %swap3A_9 : vector<1x512x3200xf32> to vector<512x3200xf32>
    %swap3A_11 = vector.shape_cast %transpose3A : vector<512x3200xf32> to vector<1x512x3200xf32>
    tpu.vector_store %arg3[%swap3A, %swap3A_7, %swap3A_8], %swap3A_11 {strides = array<i32>} : memref<1x512x3200xf32, #tpu.memory_space<vmem>>, vector<1x512x3200xf32>,
    return
  }
  func.func @transform_0(%arg0: i32, %arg1: i32) -> (i32, i32, i32, i32) {
    %c0_i32 = arith.constant 0 : i32
    %c0_i32_0 = arith.constant 0 : i32
    %c0_i32_1 = arith.constant 0 : i32
    return %arg0, %arg1, %c0_i32, %c0_i32_0 : i32, i32, i32, i32
  }
  func.func @transform_1(%arg0: i32, %arg1: i32) -> (i32, i32, i32) {
    %c0_i32 = arith.constant 0 : i32
    %c0_i32_0 = arith.constant 0 : i32
    return %arg0, %c0_i32, %arg1 : i32, i32, i32
  }
}

</mosaic_0001>

<sc_bundles>
// kernel: kernel.4.cloned.1.call-start
scs
__scs_entry_jumppad:
0x0: {  	(pc) =	sbr.rel $0x88, $3  }
0x1: {  	(tag) =	ssettag $0x0;
	lr =	simm.s32 $0x1  }
0x2: {  	[smem:$0x3F9F] =	sst lr;
	_ =	strace $0xD0000000  }
0x3: {  	_ = 	snop  }
0x4: {  	_ = 	snop  }
0x5: {  	_ = 	snop  }
0x6: {  	_ = 	snop  }
0x7: {  	_ = 	snop  }
__scs_overlays_trampoline_lowered:
0x8: {  	[smem:$0x3FAE] =	sst s0  }
0x9: {  	[smem:$0x3FAF] =	sst s1  }
0xa: {  	[smem:$0x3FB0] =	sst s2  }
0xb: {  	[smem:$0x3FB1] =	sst s3  }
0xc: {  	[smem:$0x3FB2] =	sst s4  }
0xd: {  	[smem:$0x3FB3] =	sst s5  }
0xe: {  	[smem:$0x3FB4] =	sst s6  }
0xf: {  	[smem:$0x3FB5] =	sst s7  }
0x10: {  	[smem:$0x3FB6] =	sst s8  }
0x11: {  	[smem:$0x3FB7] =	sst s9;
	s0 =	simm.s32 @!p0 $0x0  }
0x12: {  	s1 =	sld [smem:$0x3F9D];
	s0 =	simm.s32 @p0 $0x1  }
0x13: {  	[smem:$0x3FB8] =	sst s0;
	s0 =	simm.s32 @!p1 $0x0  }
0x14: {  	s2 =	sld [smem:$0x3F9C];
	s0 =	simm.s32 @p1 $0x1  }
0x15: {  	[smem:$0x3FB9] =	sst s0;
	s0 =	simm.s32 @!p2 $0x0  }
0x16: {  	s3 =	sld [smem:$0x3FDB];
	s0 =	simm.s32 @p2 $0x1  }
0x17: {  	s4 =	simm.s32 $0x1BF5;
	[smem:$0x3FBB] =	sst s0  }
0x18: {  	s0 =	sld [smem:$0x3F9E];
	_ =	swait.ge [sflag:s4], $0x0  }
0x19: {  	s7 =	sld [smem:$0x3F9F]  }
0x1a: {  	s8 =	sadd.s32 $0xFFFFE003, lr  }
0x1b: {  	s9 =	sadd.s32 $0xFFFFFEF7, lr;
	s5 =	simm.s32 $0xFFFFFFFF;
	p2 =	slt.u32 s8, $0xFFFFF086  }
0x1c: {  	p1 =	slt.u32 s9, $0xF7A;
	s5 =	simm.s32 @!p2 $0x0  }
0x1d: {  	s5 =	simm.s32 @p1 $0x1;
	p0 =	seq.s32 s7, s2  }
0x1e: {  	s7 =	smul.u32 @!p0 $0xF7A, s2;
	p2 =	seq.s32 @!p0 s5, $0x0  }
0x1f: {  	s9 =	smul.u32 $0xF7A, s1;
	s8 =	simm.s32 @!p0 $0x1BF5;
	p2 =	por !p2, p0  }
0x20: {  	[sflag:s8] =	ssyncset.s32 @!p0 $0xFFFFF086;
	s6 =	sadd.s32 @!p0 s3, s7;
	s7 =	simm.s32 @!p0 $0x108  }
0x21: {  	s3 =	sadd.s32 s3, s9;
	s6 =	sadd.s32 @!p0 $0x88, s6;
	s7 =	simm.s32 @p2 $0x1082  }
0x22: {  	[simem:s7], [sflag:s8] =	dma.local @!p0 [hbm:s6], $0xF7A  }
0x23: {  	s9 =	sor.u32 $0xD0000000, s2;
	s6 =	simm.s32 $0x108;
	_ =	swait.ge @!p0 [sflag:s8], $0x0  }
0x24: {  	s3 =	sadd.s32 $0x88, s3;
	s6 =	simm.s32 @!p1 $0x1082;
	[sflag:s4] =	ssyncset.s32 $0xFFFFF086  }
0x25: {  	[simem:s6], [sflag:s4] =	dma.local [hbm:s3], $0xF7A  }
0x26: {  	[smem:$0x3F9F] =	sst s1;
	(tag) =	ssettag s2;
	_ =	strace s9  }
0x27: {  	s1 =	sld [smem:$0x3FAF]  }
0x28: {  	s2 =	sld [smem:$0x3FB0]  }
0x29: {  	s4 =	sld [smem:$0x3FB2]  }
0x2a: {  	p0 =	seq.s32 s5, $0x0;
	s5 =	sld [smem:$0x3FB3]  }
0x2b: {  	s6 =	sld [smem:$0x3FB4]  }
0x2c: {  	s7 =	sld [smem:$0x3FB5]  }
0x2d: {  	s3 =	simm.s32 $0x108;
	s8 =	sld [smem:$0x3FB6]  }
0x2e: {  	s3 =	simm.s32 @!p0 $0x1082;
	s9 =	sld [smem:$0x3FB7]  }
0x2f: {  	lr =	sadd.s32 s0, s3;
	s0 =	sld [smem:$0x3FAE]  }
0x30: {  	s3 =	sld [smem:$0x3FB1]  }
0x31: {  	[smem:$0x3FBA] =	sst s10  }
0x32: {  	s10 =	sld [smem:$0x3FB8];
	_ =	sdelay $0x3  }
0x33: {  	p0 =	seq.s32 s10, $0x1;
	s10 =	sld [smem:$0x3FBA];
	_ =	sdelay $0x3  }
0x34: {  	[smem:$0x3FBA] =	sst s10  }
0x35: {  	s10 =	sld [smem:$0x3FB9];
	_ =	sdelay $0x3  }
0x36: {  	p1 =	seq.s32 s10, $0x1;
	s10 =	sld [smem:$0x3FBA];
	_ =	sdelay $0x3  }
0x37: {  	[smem:$0x3FBA] =	sst s10  }
0x38: {  	s10 =	sld [smem:$0x3FBB]  }
0x39: {  	_ = 	snop;
	(pc) =	sbr.ind lr, $3  }
0x3a: {  	_ = 	snop  }
0x3b: {  	_ = 	snop  }
0x3c: {  	p2 =	seq.s32 s10, $0x1;
	s10 =	sld [smem:$0x3FBA]  }
0x3d: {  	_ =	shalt  }
0x3e: {  	_ =	shalt  }
0x3f: {  	_ =	shalt  }
0x40: {  	_ =	shalt  }
0x41: {  	_ =	shalt  }
0x42: {  	_ =	shalt  }
0x43: {  	_ =	shalt  }
0x44: {  	_ =	shalt  }
0x45: {  	_ =	shalt  }
0x46: {  	_ =	shalt  }
0x47: {  	_ =	shalt  }
0x48: {  	_ =	shalt  }
0x49: {  	_ =	shalt  }
0x4a: {  	_ =	shalt  }
0x4b: {  	_ =	shalt  }
0x4c: {  	_ =	shalt  }
0x4d: {  	_ =	shalt  }
0x4e: {  	_ =	shalt  }
0x4f: {  	_ =	shalt  }
0x50: {  	_ =	shalt  }
0x51: {  	_ =	shalt  }
0x52: {  	_ =	shalt  }
0x53: {  	_ =	shalt  }
0x54: {  	_ =	shalt  }
0x55: {  	_ =	shalt  }
0x56: {  	_ =	shalt  }
0x57: {  	_ =	shalt  }
0x58: {  	_ =	shalt  }
0x59: {  	_ =	shalt  }
0x5a: {  	_ =	shalt  }
0x5b: {  	_ =	shalt  }
0x5c: {  	_ =	shalt  }
0x5d: {  	_ =	shalt  }
0x5e: {  	_ =	shalt  }
0x5f: {  	_ =	shalt  }
0x60: {  	_ =	shalt  }
0x61: {  	_ =	shalt  }
0x62: {  	_ =	shalt  }
0x63: {  	_ =	shalt  }
0x64: {  	_ =	shalt  }
0x65: {  	_ =	shalt  }
0x66: {  	_ =	shalt  }
0x67: {  	_ =	shalt  }
0x68: {  	_ =	shalt  }
0x69: {  	_ =	shalt  }
0x6a: {  	_ =	shalt  }
0x6b: {  	_ =	shalt  }
0x6c: {  	_ =	shalt  }
0x6d: {  	_ =	shalt  }
0x6e: {  	_ =	shalt  }
0x6f: {  	_ =	shalt  }
0x70: {  	_ =	shalt  }
0x71: {  	_ =	shalt  }
0x72: {  	_ =	shalt  }
0x73: {  	_ =	shalt  }
0x74: {  	_ =	shalt  }
0x75: {  	_ =	shalt  }
0x76: {  	_ =	shalt  }
0x77: {  	_ =	shalt  }
0x78: {  	_ =	shalt  }
0x79: {  	_ =	shalt  }
0x7a: {  	_ =	shalt  }
0x7b: {  	_ =	shalt  }
0x7c: {  	_ =	shalt  }
0x7d: {  	_ =	shalt  }
0x7e: {  	_ =	shalt  }
0x7f: {  	_ =	shalt  }
0x80: {  	_ =	shalt  }
0x81: {  	_ =	shalt  }
0x82: {  	_ =	shalt  }
0x83: {  	_ =	shalt  }
0x84: {  	_ =	shalt  }
0x85: {  	_ =	shalt  }
0x86: {  	_ =	shalt  }
0x87: {  	_ =	shalt  }
.Lfunc_end0:
.L_simem_size_0:
called_computation_lowered:
.L_overlay_start_0:
0x88: {  	s2 =	sld [smem:$0x3FD9]  }
0x89: {  	s3 =	sld [smem:$0x3FFE];
	_ =	sdelay $0x1  }
0x8a: {  	s1 =	srdreg.scid  }
0x8b: {  	s0 =	sand.u32 $0x1, s1  }
0x8c: {  	s17 =	sshll.u32 s0, $0xA;
	s2 =	sadd.s32 s3, s2  }
0x8d: {  	s2 =	sadd.s32 s2, s17  }
0x8e: {  	[smem:$0x3FC6] =	sst s2  }
0x8f: {  	_ = 	snop  }
0x90: {  	s2 =	sld [smem:$0x3FC8]  }
0x91: {  	s18 =	sld [smem:$0x3FD0];
	(tm) =	ssettm $0x1  }
0x92: {  	s4 =	sld [smem:$0x3FFB];
	_ =	sdelay $0x3  }
0x93: {  	_ =	strace s4  }
0x94: {  	s4 =	sld [smem:$0x3FFC];
	_ =	sdelay $0x3  }
0x95: {  	_ =	strace s4  }
0x96: {  	s4 =	sld [smem:$0x3FFD];
	_ =	sdelay $0x3  }
0x97: {  	_ =	strace s4  }
0x98: {  	_ =	strace $0x8FFFFFFF  }
0x99: {  	s19 =	sld [smem:$0x3FDB];
	_ =	sdelay $0x1  }
0x9a: {  	s5 =	simm.s32 $_scs_section_size  }
0x9b: {  	s6 =	simm.s32 $_size__tile_overlayer_lowered;
	s7 =	simm.s32 $_tile_overlayer_lowered  }
0x9c: {  	s22 =	simm.s32 $0x1BFF;
	s21 =	sshll.u32 s7, $0x1;
	s4 =	sadd.s32 s5, s19  }
0x9d: {  	s8 =	simm.s32 $0x0;
	s20 =	sshll.u32 s6, $0x1;
	s6 =	sadd.s32 s21, s4  }
0x9e: {  	[timem:s8], [sflag:s22] =	dma.local [hbm:s6], s20  }
0x9f: {  	_ =	swait.ge [sflag:s22], s20  }
0xa0: {  	s5 =	ssub.s32 $0x0, s20;
	[sflag:s22] =	ssyncset.done $0x0  }
0xa1: {  	[sflag:s22] =	ssyncadd.s32 s5;
	_ =	sdelay $0x1  }
0xa2: {  	s23 =	simm.s32 $0x1B8B  }
0xa3: {  	_ =	swait.ge [sflag:s23], $0x1  }
0xa4: {  	[sflag:s23] =	ssyncset.done $0x0  }
0xa5: {  	s25 =	simm.s32 $0x1B8E;
	s24 =	sld [smem:$0x3FFE];
	[sflag:s23] =	ssyncadd.s32 $0xFFFFFFFF  }
0xa6: {  	s26 =	simm.s32 $execute0_lowered;
	[smem:$0x3FD2] =	sst s25  }
0xa7: {  	s6 =	sshll.u32 s26, $0x1;
	_ =	strace $0x80000046;
	[dreg:$0x1] =	wrdreg $0xFFFFFFFF  }
0xa8: {  	s28 =	simm.s32 $_size_execute0_lowered;
	s4 =	sadd.s32 s4, s6;
	[dreg:$0x0] =	wrdreg $0x0  }
0xa9: {  	s6 =	sshll.u32 s28, $0x1;
	[dreg:$0x2] =	wrdreg s4  }
0xaa: {  	[dreg:$0x3] =	wrdreg s6  }
0xab: {  	[dreg:$0x4] =	wrdreg $0xC0  }
0xac: {  	_ =	task [dreg:s8], $0x5FFFF  }
0xad: {  	[dreg:$0x1] =	wrdreg $0xFFFFFFFF  }
0xae: {  	[dreg:$0x0] =	wrdreg $0x60  }
0xaf: {  	[dreg:$0x2] =	wrdreg s2  }
0xb0: {  	[dreg:$0x3] =	wrdreg s18  }
0xb1: {  	[dreg:$0x4] =	wrdreg s24  }
0xb2: {  	[dreg:$0x5] =	wrdreg $0x9  }
0xb3: {  	_ =	task.clear_ibuf [dreg:s8], $0x6FFFF;
	_ =	strace $0x90000046  }
0xb4: {  	s29 =	simm.s32 $0x9;
	_ =	strace $0x80000048  }
0xb5: {  	_ =	swait.ge [sflag:s29], $0x1  }
0xb6: {  	[sflag:s29] =	ssyncadd.s32 $0xFFFFFFFF  }
0xb7: {  	_ =	strace $0x90000048  }
0xb8: {  	_ =	sfence  }
0xb9: {  	s30 =	sld [smem:$0x0];
	_ =	sdelay $0x2  }
0xba: {  	s31 =	sshll.u32 s1, $0xD;
	s1 =	sshrl.u32 s1, $0x2  }
0xbb: {  	s3 =	sand.u32 $0x4000, s31;
	s1 =	sadd.s32 s1, s30  }
0xbc: {  	s0 =	sor.u32 s3, s0;
	s1 =	sshll.u32 s1, $0x11  }
0xbd: {  	s0 =	sor.u32 s1, s0  }
0xbe: {  	s0 =	sadd.s32 $0x8F2B, s0  }
0xbf: {  	[sflag:s0] =	ssyncadd.remote.s32 $0x1  }
0xc0: {  	_ =	sfence.sel $0xFFFF  }
0xc1: {  	[dreg:$0x0] =	wrdreg $0xFFFFFFFF;
	(pc) =	sbr.abs _section_cstart, $3  }
0xc2: {  	[dreg:$0x1] =	wrdreg $0xFFFFFFFF  }
0xc3: {  	_ =	task.clear_ibuf [dreg:s8], $0x2FFFF;
	_ =	strace $0x9FFFFFFF  }
0xc4: {  	(tm) =	ssettm $0x7FFFFFFF  }
0xc5: {  	_ =	shalt  }
tec
execute0_lowered:
.L_overlay_start_1:
0x0: {  	(tag) =	ssettag $0x1  }
0x1: {  	s2 =	rddreg [dreg:$0x0]  }
0x2: {  	s4 =	rddreg [dreg:$0x1]  }
0x3: {  	s6 =	rddreg [dreg:$0x2];
	s3 =	simm.s32 $0x0  }
0x4: {  	s26 =	simm.s32 $0x900;
	[smem:$0x7FF] =	sst s3  }
0x5: {  	s8 =	simm.s32 $0x2100;
	_ =	strace $0x80000047;
	[dreg:$0x5] =	wrdreg s26  }
0x6: {  	s9 =	simm.s32 $0x2900;
	[dreg:$0x8] =	wrdreg s8  }
0x7: {  	s7 =	stileid.u32;
	s10 =	simm.s32 $0x3100;
	[dreg:$0x9] =	wrdreg s9  }
0x8: {  	s0 =	srdreg.scid;
	s11 =	simm.s32 $0x3900;
	[dreg:$0xa] =	wrdreg s10  }
0x9: {  	s13 =	simm.s32 $0x4100;
	s14 =	simm.s32 $0x4900;
	[dreg:$0xb] =	wrdreg s11  }
0xa: {  	s15 =	simm.s32 $0x5100;
	s17 =	simm.s32 $0x5900;
	[dreg:$0xc] =	wrdreg s13  }
0xb: {  	s19 =	simm.s32 $0x6100;
	s20 =	simm.s32 $0x6900;
	[dreg:$0xd] =	wrdreg s14  }
0xc: {  	s21 =	simm.s32 $0x7100;
	s22 =	simm.s32 $0x7900;
	[dreg:$0xe] =	wrdreg s15  }
0xd: {  	s23 =	simm.s32 $0x8100;
	s24 =	simm.s32 $0x8900;
	[dreg:$0xf] =	wrdreg s17  }
0xe: {  	s25 =	simm.s32 $0x9100;
	s28 =	simm.s32 $0x13100;
	[dreg:$0x10] =	wrdreg s19  }
0xf: {  	s29 =	simm.s32 $0x13900;
	s30 =	simm.s32 $0x1;
	[dreg:$0x11] =	wrdreg s20  }
0x10: {  	s31 =	simm.s32 $0x0;
	s1 =	smul.u32 $0x3E80, s7;
	[dreg:$0x12] =	wrdreg s21  }
0x11: {  	s0 =	sand.u32 $0x1, s0;
	s12 =	smul.u32 $0xFA000, s7;
	[dreg:$0x13] =	wrdreg s22  }
0x12: {  	s7 =	simm.s32 $0x2;
	s5 =	smul.u32 $0x1F40, s0;
	[dreg:$0x14] =	wrdreg s23  }
0x13: {  	s16 =	ssub.s32 $0x2, s0;
	s0 =	smul.u32 $0x7D000, s0;
	[dreg:$0x15] =	wrdreg s24  }
0x14: {  	[dreg:$0x16] =	wrdreg s25;
	s26 =	simm.s32 $0x9900;
	s8 =	simm.s32 $0x100  }
0x15: {  	s9 =	simm.s32 $0xA100;
	s10 =	simm.s32 $0xA900;
	s11 =	simm.s32 $0xB100  }
0x16: {  	s13 =	simm.s32 $0xC100;
	s14 =	simm.s32 $0xC900;
	s15 =	simm.s32 $0xD100  }
0x17: {  	s17 =	simm.s32 $0xE100;
	s19 =	simm.s32 $0xF100;
	s20 =	simm.s32 $0xF900  }
0x18: {  	s21 =	simm.s32 $0x10100;
	s22 =	simm.s32 $0x10900;
	s23 =	simm.s32 $0x11100  }
0x19: {  	s24 =	simm.s32 $0x11900;
	s25 =	simm.s32 $0x12100;
	s6 =	sadd.s32 s12, s6  }
0x1a: {  	s18 =	sshrl.u32 s16, $0x1;
	[dreg:$0x17] =	wrdreg s26;
	s12 =	simm.s32 $0xB900  }
0x1b: {  	s1 =	sadd.s32 s5, s1;
	s5 =	simm.s32 $0x1900;
	s0 =	sadd.s32 s0, s6  }
0x1c: {  	s1 =	sshrl.u32 s1, $0x3;
	[dreg:$0x7] =	wrdreg s5;
	s0 =	sadd.s32 $0x400, s0  }
0x1d: {  	s26 =	simm.s32 $0x12900;
	s1 =	sadd.s32 s1, s4;
	[dreg:$0x19] =	wrdreg s0  }
0x1e: {  	v2 =	vlaneseq.u32;
	s5 =	ssub.s32 s16, s18;
	s4 =	simm.s32 $0x1100;
	[dreg:$0x4] =	wrdreg s1  }
0x1f: {  	vm0 =	vmmov $0xffff;
	v1 =	vshrl.u32 v2, $0x3;
	s16 =	simm.s32 $0xD900;
	s5 =	smax.u32 s5, $0x1;
	[dreg:$0x6] =	wrdreg s4  }
0x20: {  	v0 =	vand.u32 $0x7, v2;
	v2 =	vor.u32 $0x8, v2;
	v1 =	vmul.u32 $0x8, v1;
	s18 =	simm.s32 $0xE900;
	s4 =	sadd.s32 $0x100, s2;
	[dreg:$0x18] =	wrdreg s5  }
.LBB2_1:
0x21: {  	s6 =	rddreg [dreg:$0x19];
	s0 =	simm.s32 $0x0  }
.LBB2_2:
0x22: {  	s5 =	rddreg [dreg:$0x4]  }
0x23: {  	s5 =	sadd.s32 s0, s5  }
0x24: {  	[tilespmem:s3], [sflag:$0x2] =	stream.linear.gather [hbm4b:s5+s3], $0xA0, $0x38;
	[tilespmem:$0x14100] =	vst v63  }
0x25: {  	_ =	swait.ge [sflag:s7], $0xA0  }
0x26: {  	[sflag:s7] =	ssyncset.done $0x0  }
0x27: {  	[sflag:s7] =	ssyncadd.s32 $0xFFFFFF60  }
0x28: {  	v3 =	vld [tilespmem:$0x0];
	_ =	sdelay $0x4  }
0x29: {  	v4 =	vshll.u32 v3, $0x2  }
0x2a: {  	v3 =	vand.u32 $0x7, v3;
	v4 =	vand.u32 $0xFFFFFFE0, v4  }
0x2b: {  	v3 =	vor.u32 v3, v4  }
0x2c: {  	v4 =	vperm.xlane v3, v0;
	_ =	sdelay $0x1  }
0x2d: {  	v4 =	vadd.s32 v1, v4;
	_ =	sdelay $0x1  }
0x2e: {  	v3 =	vperm.xlane v3, v2;
	_ =	sdelay $0x1  }
0x2f: {  	v3 =	vadd.s32 v1, v3  }
0x30: {  	[tilespmem:s8], [sflag:$0x1] =	stream.indirect_vreg.gather [hbm4b:s2+s3], $0x80, v4, vm0, $0xb8;
	[tilespmem:$0x14100] =	vst v63  }
0x31: {  	s5 =	rddreg [dreg:$0x5]  }
0x32: {  	[tilespmem:s5], [sflag:$0x1] =	stream.indirect_vreg.gather [hbm4b:s4+s3], $0x80, v4, vm0, $0xb8;
	[tilespmem:$0x14100] =	vst v63  }
0x33: {  	s1 =	rddreg [dreg:$0x6]  }
0x34: {  	[tilespmem:s1], [sflag:$0x1] =	stream.indirect_vreg.gather [hbm4b:s2+s3], $0x80, v3, vm0, $0xb8;
	[tilespmem:$0x14100] =	vst v63  }
0x35: {  	s5 =	rddreg [dreg:$0x7]  }
0x36: {  	[tilespmem:s5], [sflag:$0x1] =	stream.indirect_vreg.gather [hbm4b:s4+s3], $0x80, v3, vm0, $0xb8;
	[tilespmem:$0x14100] =	vst v63  }
0x37: {  	v3 =	vld [tilespmem:$0x10];
	_ =	sdelay $0x4  }
0x38: {  	v55 =	vshll.u32 v3, $0x2  }
0x39: {  	v3 =	vand.u32 $0x7, v3;
	v4 =	vand.u32 $0xFFFFFFE0, v55  }
0x3a: {  	v3 =	vor.u32 v3, v4  }
0x3b: {  	v4 =	vperm.xlane v3, v0;
	_ =	sdelay $0x1  }
0x3c: {  	v4 =	vadd.s32 v1, v4;
	_ =	sdelay $0x1  }
0x3d: {  	v3 =	vperm.xlane v3, v2;
	_ =	sdelay $0x1  }
0x3e: {  	s1 =	rddreg [dreg:$0x8];
	v3 =	vadd.s32 v1, v3  }
0x3f: {  	[tilespmem:s1], [sflag:$0x1] =	stream.indirect_vreg.gather [hbm4b:s2+s3], $0x80, v4, vm0, $0xb8;
	[tilespmem:$0x14100] =	vst v63  }
0x40: {  	s5 =	rddreg [dreg:$0x9]  }
0x41: {  	[tilespmem:s5], [sflag:$0x1] =	stream.indirect_vreg.gather [hbm4b:s4+s3], $0x80, v4, vm0, $0xb8;
	[tilespmem:$0x14100] =	vst v63  }
0x42: {  	s1 =	rddreg [dreg:$0xa]  }
0x43: {  	[tilespmem:s1], [sflag:$0x1] =	stream.indirect_vreg.gather [hbm4b:s2+s3], $0x80, v3, vm0, $0xb8;
	[tilespmem:$0x14100] =	vst v63  }
0x44: {  	s5 =	rddreg [dreg:$0xb]  }
0x45: {  	[tilespmem:s5], [sflag:$0x1] =	stream.indirect_vreg.gather [hbm4b:s4+s3], $0x80, v3, vm0, $0xb8;
	[tilespmem:$0x14100] =	vst v63  }
0x46: {  	v3 =	vld [tilespmem:$0x20];
	_ =	sdelay $0x4  }
0x47: {  	v56 =	vshll.u32 v3, $0x2  }
0x48: {  	v3 =	vand.u32 $0x7, v3;
	v4 =	vand.u32 $0xFFFFFFE0, v56  }
0x49: {  	v3 =	vor.u32 v3, v4  }
0x4a: {  	v4 =	vperm.xlane v3, v0;
	_ =	sdelay $0x1  }
0x4b: {  	v4 =	vadd.s32 v1, v4;
	_ =	sdelay $0x1  }
0x4c: {  	v3 =	vperm.xlane v3, v2;
	_ =	sdelay $0x1  }
0x4d: {  	s1 =	rddreg [dreg:$0xc];
	v3 =	vadd.s32 v1, v3  }
0x4e: {  	[tilespmem:s1], [sflag:$0x1] =	stream.indirect_vreg.gather [hbm4b:s2+s3], $0x80, v4, vm0, $0xb8;
	[tilespmem:$0x14100] =	vst v63  }
0x4f: {  	s5 =	rddreg [dreg:$0xd]  }
0x50: {  	[tilespmem:s5], [sflag:$0x1] =	stream.indirect_vreg.gather [hbm4b:s4+s3], $0x80, v4, vm0, $0xb8;
	[tilespmem:$0x14100] =	vst v63  }
0x51: {  	s1 =	rddreg [dreg:$0xe]  }
0x52: {  	[tilespmem:s1], [sflag:$0x1] =	stream.indirect_vreg.gather [hbm4b:s2+s3], $0x80, v3, vm0, $0xb8;
	[tilespmem:$0x14100] =	vst v63  }
0x53: {  	s5 =	rddreg [dreg:$0xf]  }
0x54: {  	[tilespmem:s5], [sflag:$0x1] =	stream.indirect_vreg.gather [hbm4b:s4+s3], $0x80, v3, vm0, $0xb8;
	[tilespmem:$0x14100] =	vst v63  }
0x55: {  	v3 =	vld [tilespmem:$0x30];
	_ =	sdelay $0x4  }
0x56: {  	v57 =	vshll.u32 v3, $0x2  }
0x57: {  	v3 =	vand.u32 $0x7, v3;
	v4 =	vand.u32 $0xFFFFFFE0, v57  }
0x58: {  	v3 =	vor.u32 v3, v4  }
0x59: {  	v4 =	vperm.xlane v3, v0;
	_ =	sdelay $0x1  }
0x5a: {  	v4 =	vadd.s32 v1, v4;
	_ =	sdelay $0x1  }
0x5b: {  	v3 =	vperm.xlane v3, v2;
	_ =	sdelay $0x1  }
0x5c: {  	s1 =	rddreg [dreg:$0x10];
	v3 =	vadd.s32 v1, v3  }
0x5d: {  	[tilespmem:s1], [sflag:$0x1] =	stream.indirect_vreg.gather [hbm4b:s2+s3], $0x80, v4, vm0, $0xb8;
	[tilespmem:$0x14100] =	vst v63  }
0x5e: {  	s5 =	rddreg [dreg:$0x11]  }
0x5f: {  	[tilespmem:s5], [sflag:$0x1] =	stream.indirect_vreg.gather [hbm4b:s4+s3], $0x80, v4, vm0, $0xb8;
	[tilespmem:$0x14100] =	vst v63  }
0x60: {  	s1 =	rddreg [dreg:$0x12]  }
0x61: {  	[tilespmem:s1], [sflag:$0x1] =	stream.indirect_vreg.gather [hbm4b:s2+s3], $0x80, v3, vm0, $0xb8;
	[tilespmem:$0x14100] =	vst v63  }
0x62: {  	s5 =	rddreg [dreg:$0x13]  }
0x63: {  	[tilespmem:s5], [sflag:$0x1] =	stream.indirect_vreg.gather [hbm4b:s4+s3], $0x80, v3, vm0, $0xb8;
	[tilespmem:$0x14100] =	vst v63  }
0x64: {  	v3 =	vld [tilespmem:$0x40];
	_ =	sdelay $0x4  }
0x65: {  	v58 =	vshll.u32 v3, $0x2  }
0x66: {  	v3 =	vand.u32 $0x7, v3;
	v4 =	vand.u32 $0xFFFFFFE0, v58  }
0x67: {  	v3 =	vor.u32 v3, v4  }
0x68: {  	v4 =	vperm.xlane v3, v0;
	_ =	sdelay $0x1  }
0x69: {  	v4 =	vadd.s32 v1, v4;
	_ =	sdelay $0x1  }
0x6a: {  	v3 =	vperm.xlane v3, v2;
	_ =	sdelay $0x1  }
0x6b: {  	s1 =	rddreg [dreg:$0x14];
	v3 =	vadd.s32 v1, v3  }
0x6c: {  	[tilespmem:s1], [sflag:$0x1] =	stream.indirect_vreg.gather [hbm4b:s2+s3], $0x80, v4, vm0, $0xb8;
	[tilespmem:$0x14100] =	vst v63  }
0x6d: {  	s5 =	rddreg [dreg:$0x15]  }
0x6e: {  	[tilespmem:s5], [sflag:$0x1] =	stream.indirect_vreg.gather [hbm4b:s4+s3], $0x80, v4, vm0, $0xb8;
	[tilespmem:$0x14100] =	vst v63  }
0x6f: {  	s1 =	rddreg [dreg:$0x16]  }
0x70: {  	[tilespmem:s1], [sflag:$0x1] =	stream.indirect_vreg.gather [hbm4b:s2+s3], $0x80, v3, vm0, $0xb8;
	[tilespmem:$0x14100] =	vst v63  }
0x71: {  	s5 =	rddreg [dreg:$0x17]  }
0x72: {  	[tilespmem:s5], [sflag:$0x1] =	stream.indirect_vreg.gather [hbm4b:s4+s3], $0x80, v3, vm0, $0xb8;
	[tilespmem:$0x14100] =	vst v63  }
0x73: {  	v3 =	vld [tilespmem:$0x50];
	_ =	sdelay $0x4  }
0x74: {  	v59 =	vshll.u32 v3, $0x2  }
0x75: {  	v3 =	vand.u32 $0x7, v3;
	v4 =	vand.u32 $0xFFFFFFE0, v59  }
0x76: {  	v3 =	vor.u32 v3, v4  }
0x77: {  	v4 =	vperm.xlane v3, v0;
	_ =	sdelay $0x1  }
0x78: {  	v4 =	vadd.s32 v1, v4;
	_ =	sdelay $0x1  }
0x79: {  	v3 =	vperm.xlane v3, v2;
	_ =	sdelay $0x1  }
0x7a: {  	v3 =	vadd.s32 v1, v3  }
0x7b: {  	[tilespmem:s9], [sflag:$0x1] =	stream.indirect_vreg.gather [hbm4b:s2+s3], $0x80, v4, vm0, $0xb8;
	[tilespmem:$0x14100] =	vst v63  }
0x7c: {  	_ = 	snop  }
0x7d: {  	[tilespmem:s10], [sflag:$0x1] =	stream.indirect_vreg.gather [hbm4b:s4+s3], $0x80, v4, vm0, $0xb8;
	[tilespmem:$0x14100] =	vst v63  }
0x7e: {  	_ = 	snop  }
0x7f: {  	[tilespmem:s11], [sflag:$0x1] =	stream.indirect_vreg.gather [hbm4b:s2+s3], $0x80, v3, vm0, $0xb8;
	[tilespmem:$0x14100] =	vst v63  }
0x80: {  	_ = 	snop  }
0x81: {  	[tilespmem:s12], [sflag:$0x1] =	stream.indirect_vreg.gather [hbm4b:s4+s3], $0x80, v3, vm0, $0xb8;
	[tilespmem:$0x14100] =	vst v63  }
0x82: {  	v3 =	vld [tilespmem:$0x60];
	_ =	sdelay $0x4  }
0x83: {  	v60 =	vshll.u32 v3, $0x2  }
0x84: {  	v3 =	vand.u32 $0x7, v3;
	v4 =	vand.u32 $0xFFFFFFE0, v60  }
0x85: {  	v3 =	vor.u32 v3, v4  }
0x86: {  	v4 =	vperm.xlane v3, v0;
	_ =	sdelay $0x1  }
0x87: {  	v4 =	vadd.s32 v1, v4;
	_ =	sdelay $0x1  }
0x88: {  	v3 =	vperm.xlane v3, v2;
	_ =	sdelay $0x1  }
0x89: {  	v3 =	vadd.s32 v1, v3  }
0x8a: {  	[tilespmem:s13], [sflag:$0x1] =	stream.indirect_vreg.gather [hbm4b:s2+s3], $0x80, v4, vm0, $0xb8;
	[tilespmem:$0x14100] =	vst v63  }
0x8b: {  	_ = 	snop  }
0x8c: {  	[tilespmem:s14], [sflag:$0x1] =	stream.indirect_vreg.gather [hbm4b:s4+s3], $0x80, v4, vm0, $0xb8;
	[tilespmem:$0x14100] =	vst v63  }
0x8d: {  	_ = 	snop  }
0x8e: {  	[tilespmem:s15], [sflag:$0x1] =	stream.indirect_vreg.gather [hbm4b:s2+s3], $0x80, v3, vm0, $0xb8;
	[tilespmem:$0x14100] =	vst v63  }
0x8f: {  	_ = 	snop  }
0x90: {  	[tilespmem:s16], [sflag:$0x1] =	stream.indirect_vreg.gather [hbm4b:s4+s3], $0x80, v3, vm0, $0xb8;
	[tilespmem:$0x14100] =	vst v63  }
0x91: {  	v3 =	vld [tilespmem:$0x70];
	_ =	sdelay $0x4  }
0x92: {  	v61 =	vshll.u32 v3, $0x2  }
0x93: {  	v3 =	vand.u32 $0x7, v3;
	v4 =	vand.u32 $0xFFFFFFE0, v61  }
0x94: {  	v3 =	vor.u32 v3, v4  }
0x95: {  	v4 =	vperm.xlane v3, v0;
	_ =	sdelay $0x1  }
0x96: {  	v4 =	vadd.s32 v1, v4;
	_ =	sdelay $0x1  }
0x97: {  	v3 =	vperm.xlane v3, v2;
	_ =	sdelay $0x1  }
0x98: {  	v3 =	vadd.s32 v1, v3  }
0x99: {  	[tilespmem:s17], [sflag:$0x1] =	stream.indirect_vreg.gather [hbm4b:s2+s3], $0x80, v4, vm0, $0xb8;
	[tilespmem:$0x14100] =	vst v63  }
0x9a: {  	_ = 	snop  }
0x9b: {  	[tilespmem:s18], [sflag:$0x1] =	stream.indirect_vreg.gather [hbm4b:s4+s3], $0x80, v4, vm0, $0xb8;
	[tilespmem:$0x14100] =	vst v63  }
0x9c: {  	_ = 	snop  }
0x9d: {  	[tilespmem:s19], [sflag:$0x1] =	stream.indirect_vreg.gather [hbm4b:s2+s3], $0x80, v3, vm0, $0xb8;
	[tilespmem:$0x14100] =	vst v63  }
0x9e: {  	_ = 	snop  }
0x9f: {  	[tilespmem:s20], [sflag:$0x1] =	stream.indirect_vreg.gather [hbm4b:s4+s3], $0x80, v3, vm0, $0xb8;
	[tilespmem:$0x14100] =	vst v63  }
0xa0: {  	v3 =	vld [tilespmem:$0x80];
	_ =	sdelay $0x4  }
0xa1: {  	v62 =	vshll.u32 v3, $0x2  }
0xa2: {  	v3 =	vand.u32 $0x7, v3;
	v4 =	vand.u32 $0xFFFFFFE0, v62  }
0xa3: {  	v3 =	vor.u32 v3, v4  }
0xa4: {  	v4 =	vperm.xlane v3, v0;
	_ =	sdelay $0x1  }
0xa5: {  	v4 =	vadd.s32 v1, v4;
	_ =	sdelay $0x1  }
0xa6: {  	v3 =	vperm.xlane v3, v2;
	_ =	sdelay $0x1  }
0xa7: {  	v3 =	vadd.s32 v1, v3  }
0xa8: {  	[tilespmem:s21], [sflag:$0x1] =	stream.indirect_vreg.gather [hbm4b:s2+s3], $0x80, v4, vm0, $0xb8;
	[tilespmem:$0x14100] =	vst v63  }
0xa9: {  	_ = 	snop  }
0xaa: {  	[tilespmem:s22], [sflag:$0x1] =	stream.indirect_vreg.gather [hbm4b:s4+s3], $0x80, v4, vm0, $0xb8;
	[tilespmem:$0x14100] =	vst v63  }
0xab: {  	_ = 	snop  }
0xac: {  	[tilespmem:s23], [sflag:$0x1] =	stream.indirect_vreg.gather [hbm4b:s2+s3], $0x80, v3, vm0, $0xb8;
	[tilespmem:$0x14100] =	vst v63  }
0xad: {  	_ = 	snop  }
0xae: {  	[tilespmem:s24], [sflag:$0x1] =	stream.indirect_vreg.gather [hbm4b:s4+s3], $0x80, v3, vm0, $0xb8;
	[tilespmem:$0x14100] =	vst v63  }
0xaf: {  	v3 =	vld [tilespmem:$0x90];
	_ =	sdelay $0x4  }
0xb0: {  	v63 =	vshll.u32 v3, $0x2  }
0xb1: {  	v3 =	vand.u32 $0x7, v3;
	v4 =	vand.u32 $0xFFFFFFE0, v63  }
0xb2: {  	v3 =	vor.u32 v3, v4  }
0xb3: {  	v4 =	vperm.xlane v3, v0;
	_ =	sdelay $0x1  }
0xb4: {  	v4 =	vadd.s32 v1, v4;
	_ =	sdelay $0x1  }
0xb5: {  	v3 =	vperm.xlane v3, v2;
	_ =	sdelay $0x1  }
0xb6: {  	v3 =	vadd.s32 v1, v3  }
0xb7: {  	[tilespmem:s25], [sflag:$0x1] =	stream.indirect_vreg.gather [hbm4b:s2+s3], $0x80, v4, vm0, $0xb8;
	[tilespmem:$0x14100] =	vst v63  }
0xb8: {  	_ = 	snop  }
0xb9: {  	[tilespmem:s26], [sflag:$0x1] =	stream.indirect_vreg.gather [hbm4b:s4+s3], $0x80, v4, vm0, $0xb8;
	[tilespmem:$0x14100] =	vst v63  }
0xba: {  	_ = 	snop  }
0xbb: {  	[tilespmem:s28], [sflag:$0x1] =	stream.indirect_vreg.gather [hbm4b:s2+s3], $0x80, v3, vm0, $0xb8;
	[tilespmem:$0x14100] =	vst v63  }
0xbc: {  	_ = 	snop  }
0xbd: {  	[tilespmem:s29], [sflag:$0x1] =	stream.indirect_vreg.gather [hbm4b:s4+s3], $0x80, v3, vm0, $0xb8;
	[tilespmem:$0x14100] =	vst v63  }
0xbe: {  	_ =	swait.ge [sflag:s30], $0x14000  }
0xbf: {  	p0 =	sne.s32 s0, $0x3D4;
	[sflag:s30] =	ssyncset.done $0x0  }
.Ltmp0:
0xc0: {  	[sflag:s30] =	ssyncadd.s32 $0xFFFEC000;
	(pc) =	sbr.rel @p0 .LBB2_2-.Ltmp0, $4  }
0xc1: {  	[hbm4b:s6+s3] =	stream.linear.scatter [tilespmem:s8], [sflag:$0x2], $0x14000, $0x38;
	[tilespmem:$0x14100] =	vst v63  }
0xc2: {  	_ =	swait.ge [sflag:s7], $0x14000  }
0xc3: {  	[sflag:s7] =	ssyncset.done $0x0  }
0xc4: {  	s0 =	sadd.s32 $0x14, s0;
	s6 =	sadd.s32 $0x2800, s6;
	[sflag:s7] =	ssyncadd.s32 $0xFFFEC000  }
0xc5: {  	s31 =	sadd.s32 $0x1, s31;
	s0 =	rddreg [dreg:$0x18]  }
0xc6: {  	p0 =	sne.s32 s31, s0  }
.Ltmp1:
0xc7: {  	_ = 	snop;
	(pc) =	sbr.rel @p0 .LBB2_1-.Ltmp1, $1  }
0xc8: {  	_ =	sdelay $0x3  }
0xc9: {  	_ =	sfence.sel $0x180000  }
0xca: {  	[bflag:$0x0] =	sbarrier.arrive $0xFFFF  }
0xcb: {  	_ =	strace $0x90000047  }
0xcc: {  	s0 =	stileid.u32;
	[bflag:$0x2] =	sbarrier.arrive $0xFFFF  }
0xcd: {  	p0 =	sne.s32 s0, $0x0;
	s0 =	rddreg [dreg:$0x3]  }
0xce: {  	s0 =	sadd.s32 @!p0 $0x100000, s0  }
0xcf: {  	[sflag:s0] =	ssyncadd.tile.s32 @!p0 $0x1;
	_ =	shalt  }
.Lfunc_end2:
_tile_overlayer_lowered:
.L_overlay_start_2:
0xd0: {  	(tag) =	ssettag $0x2  }
0xd1: {  	s0 =	rddreg [dreg:$0x0];
	s2 =	stileid.u32  }
0xd2: {  	s1 =	rddreg [dreg:$0x1];
	p0 =	sne.s32 s2, $0x0  }
0xd3: {  	s3 =	rddreg [dreg:$0x2];
	[bflag:$0x3] =	sbarrier.arrive $0xFFFF;
	s2 =	simm.s32 @!p0 $0x1C02  }
0xd4: {  	[timem:s3], [sflag:s2] =	dma.local @!p0 [hbm:s0], s1  }
0xd5: {  	s0 =	simm.s32 @!p0 $0x2  }
0xd6: {  	_ =	swait.ge @!p0 [sflag:s0], s1  }
0xd7: {  	s1 =	ssub.s32 @!p0 $0x0, s1;
	[sflag:s0] =	ssyncset.done @!p0 $0x0  }
0xd8: {  	[sflag:s0] =	ssyncadd.s32 @!p0 s1  }
0xd9: {  	[bflag:$0x3] =	sbarrier.arrive $0xFFFF  }
0xda: {  	_ =	shalt  }

</sc_bundles>
